<compile_context>
chip_gen: v7x
topology: tpu7x:2x2x1
jax: 0.10.2.dev20260603
libtpu: 0.0.44.dev20260713+nightly
codegen_flags: <defaults>
</compile_context>

<pallas_src>
import jax
import jax.numpy as jnp
from jax import lax
from jax.experimental import pallas as pl

N = 20000
C = 20
TOPK = 2000
PRE_NMS_THRESH = 0.001
IOU_THRESHOLD = 0.5

ROW_BLK = 256

SEL_ROWS = 128
SEL_COLS = (N * C) // SEL_ROWS
SEL_K = 48


def _nms_body(s_col_ref, e_col_ref, cls_col_ref, val_col_ref,
              s_row_ref, e_row_ref, cls_row_ref, score_ref):
    i = pl.program_id(0)
    s_r = s_col_ref[...]
    e_r = e_col_ref[...]
    cls_r = cls_col_ref[...]
    val_r = val_col_ref[...]
    s_c = s_row_ref[...]
    e_c = e_row_ref[...]
    cls_c = cls_row_ref[...]

    inter = jnp.minimum(e_r, e_c) - jnp.maximum(s_r, s_c)
    inter = jnp.maximum(inter, 0.0)
    union = (e_r - s_r) + (e_c - s_c) - inter
    overlap = inter / (union + 1e-8) > IOU_THRESHOLD

    same = cls_r == cls_c
    col = jax.lax.broadcasted_iota(jnp.int32, (ROW_BLK, TOPK), 1)
    row = jax.lax.broadcasted_iota(jnp.int32, (ROW_BLK, TOPK), 0) + i * ROW_BLK
    sup = jnp.any(overlap & same & (col < row), axis=1, keepdims=True)
    keep = (~sup) & (val_r > 0.0)
    score_ref[...] = jnp.where(keep, val_r, 0.0)


def _nms_pallas(s, e, cls, vals):
    pad = -(-TOPK // ROW_BLK) * ROW_BLK
    grid = pad // ROW_BLK

    def col(x):
        return jnp.pad(x, (0, pad - TOPK)).reshape(pad, 1)

    col_spec = pl.BlockSpec((ROW_BLK, 1), lambda i: (i, 0))
    row_spec = pl.BlockSpec((1, TOPK), lambda i: (0, 0))
    out = pl.pallas_call(
        _nms_body,
        grid=(grid,),
        in_specs=[col_spec, col_spec, col_spec, col_spec,
                  row_spec, row_spec, row_spec],
        out_specs=pl.BlockSpec((ROW_BLK, 1), lambda i: (i, 0)),
        out_shape=jax.ShapeDtypeStruct((pad, 1), jnp.float32),
    )(col(s), col(e), col(cls), col(vals),
      s.reshape(1, TOPK), e.reshape(1, TOPK), cls.reshape(1, TOPK))
    return out[:TOPK].reshape(TOPK)


def kernel(segments, scores):
    flat = scores.reshape(-1)
    masked = jnp.where(flat > PRE_NMS_THRESH, flat, -1.0)

    rows = masked.reshape(SEL_ROWS, SEL_COLS)
    rvals, rcols = lax.top_k(rows, SEL_K)
    rbase = (jnp.arange(SEL_ROWS, dtype=jnp.int32) * SEL_COLS)[:, None]
    rflat = rbase + rcols
    mvals, mpos = lax.top_k(rvals.reshape(-1), TOPK)
    midx = jnp.take(rflat.reshape(-1), mpos)
    ok = jnp.all(rvals[:, -1] < mvals[-1])

    def fast(_):
        return mvals, midx

    def slow(_):
        tv, ti = lax.top_k(masked, TOPK)
        return tv, ti

    top_vals, topk_idxs = lax.cond(ok, fast, slow, None)
    pt_idxs = topk_idxs // C
    cls_idxs = topk_idxs % C
    seg = jnp.take(segments, pt_idxs, axis=0)
    score_out = _nms_pallas(seg[:, 0], seg[:, 1], cls_idxs, top_vals)
    return seg, score_out, cls_idxs

# --- scband reference (transcript-rebuilt; emitter-appended) ---
"""Pipeline reference for scband-detector-33371895890334 (READ-ONLY COPY).

The authoritative reference and input builder live on the scoring server;
editing this copy changes nothing except your own understanding.
"""

import jax, jax.numpy as jnp
import numpy as np

N = 20000
C = 20
TOPK = 2000
PRE_NMS_THRESH = 0.001
IOU_THRESHOLD = 0.5


def setup_inputs(seed: int = 0) -> dict:
    key = jax.random.key(seed)
    k1, k2, k3 = jax.random.split(key, 3)
    starts = jax.random.uniform(k1, (N,), dtype=jnp.float32) * 1000.0
    lengths = jax.random.uniform(k2, (N,), dtype=jnp.float32) * 50.0 + 0.5
    segments = jnp.stack([starts, starts + lengths], axis=-1)  # [N, 2] valid temporal segments
    scores = jax.random.uniform(k3, (N, C), dtype=jnp.float32)  # [N, num_classes] class probabilities
    return {"segments": segments, "scores": scores}


def reference(segments, scores):
    # Faithful translation of Detector.post_processing multi-class branch:
    # flatten -> threshold -> sort descending (top-k) -> decode point/class idx -> gather
    # -> batched (class-aware) NMS over 1-D temporal segments.
    pred_prob = scores.reshape(-1)  # [N*C]
    keep_idxs1 = pred_prob > PRE_NMS_THRESH
    masked = jnp.where(keep_idxs1, pred_prob, -1.0)
    # sort descending + take top-k (fixed shape for jax)
    top_vals, topk_idxs = jax.lax.top_k(masked, TOPK)
    pt_idxs = topk_idxs // C
    cls_idxs = topk_idxs % C
    seg = jnp.take(segments, pt_idxs, axis=0)  # [TOPK, 2]
    s = seg[:, 0]
    e = seg[:, 1]
    # pairwise temporal IoU [TOPK, TOPK]
    inter = jnp.clip(jnp.minimum(e[:, None], e[None, :]) - jnp.maximum(s[:, None], s[None, :]), 0.0)
    area = e - s
    union = area[:, None] + area[None, :] - inter
    iou = inter / (union + 1e-8)
    same_cls = cls_idxs[:, None] == cls_idxs[None, :]
    # candidates are already sorted by score descending: column j outranks row i iff j < i
    higher = jnp.tril(jnp.ones((TOPK, TOPK), dtype=bool), k=-1)
    suppressed = jnp.any((iou > IOU_THRESHOLD) & same_cls & higher, axis=1)
    valid = top_vals > 0.0  # drop padded / below-threshold entries
    keep = (~suppressed) & valid
    score_out = jnp.where(keep, top_vals, 0.0)
    return seg, score_out, cls_idxs

if __name__ == "__main__":
    import jax
    _d = setup_inputs()
    print(jax.jit(kernel)(*tuple(_d.values())))

</pallas_src>

<mosaic_0001>
module attributes {stable_mosaic.version = 14 : i64} {
  func.func @_nms_body(%arg0: i32, %arg1: memref<256x1xf32, #tpu.memory_space<vmem>>, %arg2: memref<256x1xf32, #tpu.memory_space<vmem>>, %arg3: memref<256x1xi32, #tpu.memory_space<vmem>>, %arg4: memref<256x1xf32, #tpu.memory_space<vmem>>, %arg5: memref<1x2000xf32, #tpu.memory_space<vmem>>, %arg6: memref<1x2000xf32, #tpu.memory_space<vmem>>, %arg7: memref<1x2000xi32, #tpu.memory_space<vmem>>, %arg8: memref<256x1xf32, #tpu.memory_space<vmem>>) attributes {dimension_semantics = [#tpu.dimension_semantics<arbitrary>], iteration_bounds = array<i64: 8>, scalar_prefetch = 0 : i64, scratch_operands = 0 : i64, tpu.core_type = #tpu.core_type<tc>, window_params = [{transform_indices = @transform_0, window_bounds = array<i64: 256, 1>}, {transform_indices = @transform_1, window_bounds = array<i64: 256, 1>}, {transform_indices = @transform_2, window_bounds = array<i64: 256, 1>}, {transform_indices = @transform_3, window_bounds = array<i64: 256, 1>}, {pipeline_mode = #tpu.pipeline_mode<synchronous>, transform_indices = @transform_4, window_bounds = array<i64: 1, 2000>}, {pipeline_mode = #tpu.pipeline_mode<synchronous>, transform_indices = @transform_5, window_bounds = array<i64: 1, 2000>}, {pipeline_mode = #tpu.pipeline_mode<synchronous>, transform_indices = @transform_6, window_bounds = array<i64: 1, 2000>}, {transform_indices = @transform_7, window_bounds = array<i64: 256, 1>}]} {
    %get3A = arith.constant 0 : index
    %get3A_0 = arith.constant 0 : index
    %get3A_1 = vector.load %arg1[%get3A, %get3A_0] : memref<256x1xf32, #tpu.memory_space<vmem>>, vector<256x1xf32>
    %get3A_2 = arith.constant 0 : index
    %get3A_3 = arith.constant 0 : index
    %get3A_4 = vector.load %arg2[%get3A_2, %get3A_3] : memref<256x1xf32, #tpu.memory_space<vmem>>, vector<256x1xf32>
    %get3A_5 = arith.constant 0 : index
    %get3A_6 = arith.constant 0 : index
    %get3A_7 = vector.load %arg3[%get3A_5, %get3A_6] : memref<256x1xi32, #tpu.memory_space<vmem>>, vector<256x1xi32>
    %get3A_8 = arith.constant 0 : index
    %get3A_9 = arith.constant 0 : index
    %get3A_10 = vector.load %arg4[%get3A_8, %get3A_9] : memref<256x1xf32, #tpu.memory_space<vmem>>, vector<256x1xf32>
    %get3A_11 = arith.constant 0 : index
    %get3A_12 = arith.constant 0 : index
    %get3A_13 = vector.load %arg5[%get3A_11, %get3A_12] : memref<1x2000xf32, #tpu.memory_space<vmem>>, vector<1x2000xf32>
    %get3A_14 = arith.constant 0 : index
    %get3A_15 = arith.constant 0 : index
    %get3A_16 = vector.load %arg6[%get3A_14, %get3A_15] : memref<1x2000xf32, #tpu.memory_space<vmem>>, vector<1x2000xf32>
    %get3A_17 = arith.constant 0 : index
    %get3A_18 = arith.constant 0 : index
    %get3A_19 = vector.load %arg7[%get3A_17, %get3A_18] : memref<1x2000xi32, #tpu.memory_space<vmem>>, vector<1x2000xi32>
    %min3A = vector.broadcast %get3A_4 : vector<256x1xf32> to vector<256x2000xf32>
    %min3A_20 = vector.broadcast %get3A_16 : vector<1x2000xf32> to vector<256x2000xf32>
    %min3A_21 = arith.minimumf %min3A, %min3A_20 : vector<256x2000xf32>
    %max3A = vector.broadcast %get3A_1 : vector<256x1xf32> to vector<256x2000xf32>
    %max3A_22 = vector.broadcast %get3A_13 : vector<1x2000xf32> to vector<256x2000xf32>
    %max3A_23 = arith.maximumf %max3A, %max3A_22 : vector<256x2000xf32>
    %sub3A = arith.subf %min3A_21, %max3A_23 : vector<256x2000xf32>
    %max3A_24 = arith.constant 0.000000e+00 : f32
    %max3A_25 = vector.broadcast %max3A_24 : f32 to vector<256x2000xf32>
    %max3A_26 = arith.maximumf %sub3A, %max3A_25 : vector<256x2000xf32>
    %sub3A_27 = arith.subf %get3A_4, %get3A_1 : vector<256x1xf32>
    %sub3A_28 = arith.subf %get3A_16, %get3A_13 : vector<1x2000xf32>
    %add3A = vector.broadcast %sub3A_27 : vector<256x1xf32> to vector<256x2000xf32>
    %add3A_29 = vector.broadcast %sub3A_28 : vector<1x2000xf32> to vector<256x2000xf32>
    %add3A_30 = arith.addf %add3A, %add3A_29 : vector<256x2000xf32>
    %sub3A_31 = arith.subf %add3A_30, %max3A_26 : vector<256x2000xf32>
    %add3A_32 = arith.constant 9.99999993E-9 : f32
    %add3A_33 = vector.broadcast %add3A_32 : f32 to vector<256x2000xf32>
    %add3A_34 = arith.addf %sub3A_31, %add3A_33 : vector<256x2000xf32>
    %div3A = arith.divf %max3A_26, %add3A_34 : vector<256x2000xf32>
    %gt3A = arith.constant 5.000000e-01 : f32
    %gt3A_35 = vector.broadcast %gt3A : f32 to vector<256x2000xf32>
    %gt3A_36 = arith.cmpf ogt, %div3A, %gt3A_35 : vector<256x2000xf32>
    %eq3A = vector.broadcast %get3A_7 : vector<256x1xi32> to vector<256x2000xi32>
    %eq3A_37 = vector.broadcast %get3A_19 : vector<1x2000xi32> to vector<256x2000xi32>
    %eq3A_38 = arith.cmpi eq, %eq3A, %eq3A_37 : vector<256x2000xi32>
    %iota3A = tpu.iota {dimensions = array<i32: 1>} : vector<256x2000xi32>
    %iota3A_39 = tpu.iota {dimensions = array<i32: 0>} : vector<256x2000xi32>
    %mul3A = arith.constant 256 : i32
    %mul3A_40 = arith.muli %arg0, %mul3A : i32
    %add3A_41 = vector.broadcast %mul3A_40 : i32 to vector<256x2000xi32>
    %add3A_42 = arith.addi %iota3A_39, %add3A_41 : vector<256x2000xi32>
    %and3A = arith.andi %gt3A_36, %eq3A_38 : vector<256x2000xi1>
    %lt3A = arith.cmpi slt, %iota3A, %add3A_42 : vector<256x2000xi32>
    %and3A_43 = arith.andi %and3A, %lt3A : vector<256x2000xi1>
    %reduce_or3A = arith.constant 1.000000e+00 : f32
    %reduce_or3A_44 = arith.constant 0.000000e+00 : f32
    %reduce_or3A_45 = vector.broadcast %reduce_or3A : f32 to vector<256x2000xf32>
    %reduce_or3A_46 = vector.broadcast %reduce_or3A_44 : f32 to vector<256x2000xf32>
    %reduce_or3A_47 = arith.select %and3A_43, %reduce_or3A_45, %reduce_or3A_46 : vector<256x2000xi1>, vector<256x2000xf32>
    %reduce_or3A_48 = arith.constant dense<0xFF800000> : vector<256xf32>
    %reduce_or3A_49 = vector.multi_reduction <maximumf>, %reduce_or3A_47, %reduce_or3A_48 [1] : vector<256x2000xf32> to vector<256xf32>
    %reduce_or3A_50 = arith.constant 0.000000e+00 : f32
    %reduce_or3A_51 = vector.broadcast %reduce_or3A_50 : f32 to vector<256xf32>
    %reduce_or3A_52 = arith.cmpf ogt, %reduce_or3A_49, %reduce_or3A_51 : vector<256xf32>
    %broadcast_in_dim3A = vector.shape_cast %reduce_or3A_52 : vector<256xi1> to vector<256x1xi1>
    %not3A = arith.constant dense<true> : vector<256x1xi1>
    %not3A_53 = arith.xori %broadcast_in_dim3A, %not3A : vector<256x1xi1>
    %gt3A_54 = arith.constant 0.000000e+00 : f32
    %gt3A_55 = vector.broadcast %gt3A_54 : f32 to vector<256x1xf32>
    %gt3A_56 = arith.cmpf ogt, %get3A_10, %gt3A_55 : vector<256x1xf32>
    %and3A_57 = arith.andi %not3A_53, %gt3A_56 : vector<256x1xi1>
    %jit3A = arith.constant 0.000000e+00 : f32
    %broadcast_in_dim3A_58 = vector.broadcast %jit3A : f32 to vector<256x1xf32>
    %select_n3A = arith.select %and3A_57, %get3A_10, %broadcast_in_dim3A_58 : vector<256x1xi1>, vector<256x1xf32>
    %swap3A = arith.constant 0 : index
    %swap3A_59 = arith.constant 0 : index
    %swap3A_60 = vector.load %arg8[%swap3A, %swap3A_59] : memref<256x1xf32, #tpu.memory_space<vmem>>, vector<256x1xf32>
    tpu.vector_store %arg8[%swap3A, %swap3A_59], %select_n3A {strides = array<i32>} : memref<256x1xf32, #tpu.memory_space<vmem>>, vector<256x1xf32>,
    return
  }
  func.func @transform_0(%arg0: i32) -> (i32, i32) {
    %c0_i32 = arith.constant 0 : i32
    %c0_i32_0 = arith.constant 0 : i32
    return %arg0, %c0_i32 : i32, i32
  }
  func.func @transform_1(%arg0: i32) -> (i32, i32) {
    %c0_i32 = arith.constant 0 : i32
    %c0_i32_0 = arith.constant 0 : i32
    return %arg0, %c0_i32 : i32, i32
  }
  func.func @transform_2(%arg0: i32) -> (i32, i32) {
    %c0_i32 = arith.constant 0 : i32
    %c0_i32_0 = arith.constant 0 : i32
    return %arg0, %c0_i32 : i32, i32
  }
  func.func @transform_3(%arg0: i32) -> (i32, i32) {
    %c0_i32 = arith.constant 0 : i32
    %c0_i32_0 = arith.constant 0 : i32
    return %arg0, %c0_i32 : i32, i32
  }
  func.func @transform_4(%arg0: i32) -> (i32, i32) {
    %c0_i32 = arith.constant 0 : i32
    %c0_i32_0 = arith.constant 0 : i32
    %c0_i32_1 = arith.constant 0 : i32
    return %c0_i32, %c0_i32_0 : i32, i32
  }
  func.func @transform_5(%arg0: i32) -> (i32, i32) {
    %c0_i32 = arith.constant 0 : i32
    %c0_i32_0 = arith.constant 0 : i32
    %c0_i32_1 = arith.constant 0 : i32
    return %c0_i32, %c0_i32_0 : i32, i32
  }
  func.func @transform_6(%arg0: i32) -> (i32, i32) {
    %c0_i32 = arith.constant 0 : i32
    %c0_i32_0 = arith.constant 0 : i32
    %c0_i32_1 = arith.constant 0 : i32
    return %c0_i32, %c0_i32_0 : i32, i32
  }
  func.func @transform_7(%arg0: i32) -> (i32, i32) {
    %c0_i32 = arith.constant 0 : i32
    %c0_i32_0 = arith.constant 0 : i32
    return %arg0, %c0_i32 : i32, i32
  }
}

</mosaic_0001>

<sc_bundles>
// kernel: gather_offload_async_start.1
scs
__scs_entry_jumppad:
0x0: {  	(pc) =	sbr.rel $0x88, $3  }
0x1: {  	(tag) =	ssettag $0x0;
	lr =	simm.s32 $0x1  }
0x2: {  	[smem:$0x3F9F] =	sst lr;
	_ =	strace $0xD0000000  }
0x3: {  	_ = 	snop  }
0x4: {  	_ = 	snop  }
0x5: {  	_ = 	snop  }
0x6: {  	_ = 	snop  }
0x7: {  	_ = 	snop  }
__scs_overlays_trampoline_lowered:
0x8: {  	[smem:$0x3FAE] =	sst s0  }
0x9: {  	[smem:$0x3FAF] =	sst s1  }
0xa: {  	[smem:$0x3FB0] =	sst s2  }
0xb: {  	[smem:$0x3FB1] =	sst s3  }
0xc: {  	[smem:$0x3FB2] =	sst s4  }
0xd: {  	[smem:$0x3FB3] =	sst s5  }
0xe: {  	[smem:$0x3FB4] =	sst s6  }
0xf: {  	[smem:$0x3FB5] =	sst s7  }
0x10: {  	[smem:$0x3FB6] =	sst s8  }
0x11: {  	[smem:$0x3FB7] =	sst s9;
	s0 =	simm.s32 @!p0 $0x0  }
0x12: {  	s1 =	sld [smem:$0x3F9D];
	s0 =	simm.s32 @p0 $0x1  }
0x13: {  	[smem:$0x3FB8] =	sst s0;
	s0 =	simm.s32 @!p1 $0x0  }
0x14: {  	s2 =	sld [smem:$0x3F9C];
	s0 =	simm.s32 @p1 $0x1  }
0x15: {  	[smem:$0x3FB9] =	sst s0;
	s0 =	simm.s32 @!p2 $0x0  }
0x16: {  	s3 =	sld [smem:$0x3FDB];
	s0 =	simm.s32 @p2 $0x1  }
0x17: {  	s4 =	simm.s32 $0x1BF5;
	[smem:$0x3FBB] =	sst s0  }
0x18: {  	s0 =	sld [smem:$0x3F9E];
	_ =	swait.ge [sflag:s4], $0x0  }
0x19: {  	s7 =	sld [smem:$0x3F9F]  }
0x1a: {  	s8 =	sadd.s32 $0xFFFFE003, lr  }
0x1b: {  	s9 =	sadd.s32 $0xFFFFFEF7, lr;
	s5 =	simm.s32 $0xFFFFFFFF;
	p2 =	slt.u32 s8, $0xFFFFF086  }
0x1c: {  	p1 =	slt.u32 s9, $0xF7A;
	s5 =	simm.s32 @!p2 $0x0  }
0x1d: {  	s5 =	simm.s32 @p1 $0x1;
	p0 =	seq.s32 s7, s2  }
0x1e: {  	s7 =	smul.u32 @!p0 $0xF7A, s2;
	p2 =	seq.s32 @!p0 s5, $0x0  }
0x1f: {  	s9 =	smul.u32 $0xF7A, s1;
	s8 =	simm.s32 @!p0 $0x1BF5;
	p2 =	por !p2, p0  }
0x20: {  	[sflag:s8] =	ssyncset.s32 @!p0 $0xFFFFF086;
	s6 =	sadd.s32 @!p0 s3, s7;
	s7 =	simm.s32 @!p0 $0x108  }
0x21: {  	s3 =	sadd.s32 s3, s9;
	s6 =	sadd.s32 @!p0 $0x88, s6;
	s7 =	simm.s32 @p2 $0x1082  }
0x22: {  	[simem:s7], [sflag:s8] =	dma.local @!p0 [hbm:s6], $0xF7A  }
0x23: {  	s9 =	sor.u32 $0xD0000000, s2;
	s6 =	simm.s32 $0x108;
	_ =	swait.ge @!p0 [sflag:s8], $0x0  }
0x24: {  	s3 =	sadd.s32 $0x88, s3;
	s6 =	simm.s32 @!p1 $0x1082;
	[sflag:s4] =	ssyncset.s32 $0xFFFFF086  }
0x25: {  	[simem:s6], [sflag:s4] =	dma.local [hbm:s3], $0xF7A  }
0x26: {  	[smem:$0x3F9F] =	sst s1;
	(tag) =	ssettag s2;
	_ =	strace s9  }
0x27: {  	s1 =	sld [smem:$0x3FAF]  }
0x28: {  	s2 =	sld [smem:$0x3FB0]  }
0x29: {  	s4 =	sld [smem:$0x3FB2]  }
0x2a: {  	p0 =	seq.s32 s5, $0x0;
	s5 =	sld [smem:$0x3FB3]  }
0x2b: {  	s6 =	sld [smem:$0x3FB4]  }
0x2c: {  	s7 =	sld [smem:$0x3FB5]  }
0x2d: {  	s3 =	simm.s32 $0x108;
	s8 =	sld [smem:$0x3FB6]  }
0x2e: {  	s3 =	simm.s32 @!p0 $0x1082;
	s9 =	sld [smem:$0x3FB7]  }
0x2f: {  	lr =	sadd.s32 s0, s3;
	s0 =	sld [smem:$0x3FAE]  }
0x30: {  	s3 =	sld [smem:$0x3FB1]  }
0x31: {  	[smem:$0x3FBA] =	sst s10  }
0x32: {  	s10 =	sld [smem:$0x3FB8];
	_ =	sdelay $0x3  }
0x33: {  	p0 =	seq.s32 s10, $0x1;
	s10 =	sld [smem:$0x3FBA];
	_ =	sdelay $0x3  }
0x34: {  	[smem:$0x3FBA] =	sst s10  }
0x35: {  	s10 =	sld [smem:$0x3FB9];
	_ =	sdelay $0x3  }
0x36: {  	p1 =	seq.s32 s10, $0x1;
	s10 =	sld [smem:$0x3FBA];
	_ =	sdelay $0x3  }
0x37: {  	[smem:$0x3FBA] =	sst s10  }
0x38: {  	s10 =	sld [smem:$0x3FBB]  }
0x39: {  	_ = 	snop;
	(pc) =	sbr.ind lr, $3  }
0x3a: {  	_ = 	snop  }
0x3b: {  	_ = 	snop  }
0x3c: {  	p2 =	seq.s32 s10, $0x1;
	s10 =	sld [smem:$0x3FBA]  }
0x3d: {  	_ =	shalt  }
0x3e: {  	_ =	shalt  }
0x3f: {  	_ =	shalt  }
0x40: {  	_ =	shalt  }
0x41: {  	_ =	shalt  }
0x42: {  	_ =	shalt  }
0x43: {  	_ =	shalt  }
0x44: {  	_ =	shalt  }
0x45: {  	_ =	shalt  }
0x46: {  	_ =	shalt  }
0x47: {  	_ =	shalt  }
0x48: {  	_ =	shalt  }
0x49: {  	_ =	shalt  }
0x4a: {  	_ =	shalt  }
0x4b: {  	_ =	shalt  }
0x4c: {  	_ =	shalt  }
0x4d: {  	_ =	shalt  }
0x4e: {  	_ =	shalt  }
0x4f: {  	_ =	shalt  }
0x50: {  	_ =	shalt  }
0x51: {  	_ =	shalt  }
0x52: {  	_ =	shalt  }
0x53: {  	_ =	shalt  }
0x54: {  	_ =	shalt  }
0x55: {  	_ =	shalt  }
0x56: {  	_ =	shalt  }
0x57: {  	_ =	shalt  }
0x58: {  	_ =	shalt  }
0x59: {  	_ =	shalt  }
0x5a: {  	_ =	shalt  }
0x5b: {  	_ =	shalt  }
0x5c: {  	_ =	shalt  }
0x5d: {  	_ =	shalt  }
0x5e: {  	_ =	shalt  }
0x5f: {  	_ =	shalt  }
0x60: {  	_ =	shalt  }
0x61: {  	_ =	shalt  }
0x62: {  	_ =	shalt  }
0x63: {  	_ =	shalt  }
0x64: {  	_ =	shalt  }
0x65: {  	_ =	shalt  }
0x66: {  	_ =	shalt  }
0x67: {  	_ =	shalt  }
0x68: {  	_ =	shalt  }
0x69: {  	_ =	shalt  }
0x6a: {  	_ =	shalt  }
0x6b: {  	_ =	shalt  }
0x6c: {  	_ =	shalt  }
0x6d: {  	_ =	shalt  }
0x6e: {  	_ =	shalt  }
0x6f: {  	_ =	shalt  }
0x70: {  	_ =	shalt  }
0x71: {  	_ =	shalt  }
0x72: {  	_ =	shalt  }
0x73: {  	_ =	shalt  }
0x74: {  	_ =	shalt  }
0x75: {  	_ =	shalt  }
0x76: {  	_ =	shalt  }
0x77: {  	_ =	shalt  }
0x78: {  	_ =	shalt  }
0x79: {  	_ =	shalt  }
0x7a: {  	_ =	shalt  }
0x7b: {  	_ =	shalt  }
0x7c: {  	_ =	shalt  }
0x7d: {  	_ =	shalt  }
0x7e: {  	_ =	shalt  }
0x7f: {  	_ =	shalt  }
0x80: {  	_ =	shalt  }
0x81: {  	_ =	shalt  }
0x82: {  	_ =	shalt  }
0x83: {  	_ =	shalt  }
0x84: {  	_ =	shalt  }
0x85: {  	_ =	shalt  }
0x86: {  	_ =	shalt  }
0x87: {  	_ =	shalt  }
.Lfunc_end0:
.L_simem_size_0:
called_computation.1_lowered:
.L_overlay_start_0:
0x88: {  	s0 =	sld [smem:$0x3FD9]  }
0x89: {  	s1 =	sld [smem:$0x3FFE];
	_ =	sdelay $0x3  }
0x8a: {  	s0 =	sadd.s32 s1, s0  }
0x8b: {  	[smem:$0x3FC6] =	sst s0  }
0x8c: {  	_ = 	snop  }
0x8d: {  	s0 =	sld [smem:$0x3FD0];
	_ =	sdelay $0x2  }
0x8e: {  	s13 =	simm.s32 $0xA;
	s2 =	simm.s32 $0x10  }
0x8f: {  	[smem:s2], [sflag:s13] =	dma.local [hbm:s0], $0x1  }
0x90: {  	_ =	swait.eq [sflag:s13], $0x1  }
0x91: {  	[sflag:s13] =	ssyncset.done $0x0  }
0x92: {  	[sflag:s13] =	ssyncadd.s32 $0xFFFFFFFF  }
0x93: {  	s14 =	sld [smem:$0x11];
	(tm) =	ssettm $0x1  }
0x94: {  	s15 =	sld [smem:$0x3FFB];
	_ =	sdelay $0x3  }
0x95: {  	_ =	strace s15  }
0x96: {  	s1 =	sld [smem:$0x3FFC];
	_ =	sdelay $0x3  }
0x97: {  	_ =	strace s1  }
0x98: {  	s1 =	sld [smem:$0x3FFD];
	_ =	sdelay $0x3  }
0x99: {  	_ =	strace s1  }
0x9a: {  	_ =	strace $0x8FFFFFFF  }
0x9b: {  	s16 =	sld [smem:$0x3FDB];
	_ =	sdelay $0x1  }
0x9c: {  	s17 =	simm.s32 $_scs_section_size  }
0x9d: {  	s3 =	simm.s32 $_size__tile_overlayer_lowered;
	s4 =	simm.s32 $_tile_overlayer_lowered  }
0x9e: {  	s20 =	simm.s32 $0x1BFF;
	s19 =	sshll.u32 s4, $0x1;
	s1 =	sadd.s32 s17, s16  }
0x9f: {  	s5 =	simm.s32 $0x0;
	s18 =	sshll.u32 s3, $0x1;
	s3 =	sadd.s32 s19, s1  }
0xa0: {  	[timem:s5], [sflag:s20] =	dma.local [hbm:s3], s18  }
0xa1: {  	_ =	swait.ge [sflag:s20], s18  }
0xa2: {  	s2 =	ssub.s32 $0x0, s18;
	[sflag:s20] =	ssyncset.done $0x0  }
0xa3: {  	[sflag:s20] =	ssyncadd.s32 s2;
	_ =	sdelay $0x1  }
0xa4: {  	s21 =	simm.s32 $0x1B8B  }
0xa5: {  	_ =	swait.ge [sflag:s21], $0x1  }
0xa6: {  	[sflag:s21] =	ssyncset.done $0x0  }
0xa7: {  	s23 =	simm.s32 $0x1B8E;
	s22 =	sld [smem:$0x3FFE];
	[sflag:s21] =	ssyncadd.s32 $0xFFFFFFFF  }
0xa8: {  	s24 =	simm.s32 $execute0_lowered;
	[smem:$0x3FD2] =	sst s23  }
0xa9: {  	s3 =	sshll.u32 s24, $0x1;
	_ =	strace $0x80000046;
	[dreg:$0x1] =	wrdreg $0xFFFFFFFF  }
0xaa: {  	s25 =	simm.s32 $_size_execute0_lowered;
	s1 =	sadd.s32 s1, s3;
	[dreg:$0x0] =	wrdreg $0x0  }
0xab: {  	s3 =	sshll.u32 s25, $0x1;
	[dreg:$0x2] =	wrdreg s1  }
0xac: {  	[dreg:$0x3] =	wrdreg s3  }
0xad: {  	[dreg:$0x4] =	wrdreg $0xC0  }
0xae: {  	_ =	task [dreg:s5], $0x5FFFF  }
0xaf: {  	[dreg:$0x1] =	wrdreg $0xFFFFFFFF  }
0xb0: {  	[dreg:$0x0] =	wrdreg $0x60  }
0xb1: {  	[dreg:$0x2] =	wrdreg s22  }
0xb2: {  	[dreg:$0x3] =	wrdreg s14  }
0xb3: {  	[dreg:$0x4] =	wrdreg $0x9  }
0xb4: {  	_ =	task.clear_ibuf [dreg:s5], $0x5FFFF;
	_ =	strace $0x90000046  }
0xb5: {  	s26 =	simm.s32 $0x9;
	_ =	strace $0x80000048  }
0xb6: {  	_ =	swait.ge [sflag:s26], $0x1  }
0xb7: {  	[sflag:s26] =	ssyncadd.s32 $0xFFFFFFFF  }
0xb8: {  	_ =	strace $0x90000048  }
0xb9: {  	_ =	sfence  }
0xba: {  	s28 =	sld [smem:$0x0];
	_ =	sdelay $0x1  }
0xbb: {  	s29 =	srdreg.scid  }
0xbc: {  	s30 =	sshll.u32 s29, $0xD;
	s31 =	sshrl.u32 s29, $0x2  }
0xbd: {  	s2 =	sand.u32 $0x4000, s30;
	s1 =	sand.u32 $0x1, s29;
	s0 =	sadd.s32 s31, s28  }
0xbe: {  	s1 =	sor.u32 s2, s1;
	s0 =	sshll.u32 s0, $0x11  }
0xbf: {  	s0 =	sor.u32 s0, s1  }
0xc0: {  	s0 =	sadd.s32 $0x8F2B, s0  }
0xc1: {  	[sflag:s0] =	ssyncadd.remote.s32 $0x1  }
0xc2: {  	_ =	sfence.sel $0xFFFF  }
0xc3: {  	[dreg:$0x0] =	wrdreg $0xFFFFFFFF;
	(pc) =	sbr.abs _section_cstart, $3  }
0xc4: {  	[dreg:$0x1] =	wrdreg $0xFFFFFFFF  }
0xc5: {  	_ =	task.clear_ibuf [dreg:s5], $0x2FFFF;
	_ =	strace $0x9FFFFFFF  }
0xc6: {  	(tm) =	ssettm $0x7FFFFFFF  }
0xc7: {  	_ =	shalt  }
tec
execute0_lowered:
.L_overlay_start_1:
0x0: {  	(tag) =	ssettag $0x1  }
0x1: {  	s0 =	stileid.u32  }
0x2: {  	s1 =	smin.u32 s0, $0x9  }
0x3: {  	s1 =	sadd.s32 s0, s1  }
0x4: {  	s2 =	simm.s32 $0xA0;
	p0 =	slt.u32 s0, $0x9;
	s1 =	smul.u32 $0x50, s1  }
0x5: {  	s2 =	simm.s32 @!p0 $0x50  }
0x6: {  	s2 =	sadd.s32 s2, s1  }
0x7: {  	s3 =	smin.u32 s2, $0x7D0  }
0x8: {  	s7 =	ssub.s32 s3, s1  }
0x9: {  	p0 =	sgt.s32 s7, $0x0  }
0xa: {  	s7 =	simm.s32 @!p0 $0x0  }
0xb: {  	s4 =	rddreg [dreg:$0x0];
	s31 =	smul.u32 $0xCCCD, s7  }
0xc: {  	s5 =	rddreg [dreg:$0x1]  }
0xd: {  	s6 =	simm.s32 $0x1;
	s10 =	simm.s32 $0x3;
	s8 =	sshrl.u32 s31, $0x16  }
0xe: {  	s13 =	simm.s32 $0x0;
	s12 =	simm.s32 $0x0;
	s9 =	smul.u32 $0x50, s8  }
.Ltmp0:
0xf: {  	s11 =	smov.u32 s1;
	s2 =	rddreg [dreg:$0x2];
	(pc) =	sbr.rel .LBB2_1-.Ltmp0, $4  }
0x10: {  	_ =	strace $0x80000047;
	p0 =	sne.s32 s7, s9;
	s9 =	simm.s32 $0x1  }
0x11: {  	[sflag:s6] =	ssyncpa.u1 $0x0;
	s7 =	simm.s32 $0x2;
	s9 =	simm.s32 @!p0 $0x0  }
0x12: {  	[sflag:s7] =	ssyncpa.u1 $0x0;
	p0 =	por $0x0, $0x0;
	s8 =	sadd.s32 s8, s9  }
0x13: {  	vm0 =	vmmov $0xff;
	vm1 =	vcmask $0x3F20;
	s9 =	sadd.s32 $0x4E200, s4;
	[sflag:s10] =	ssyncpa.u1 $0x0;
	s10 =	sadd.s32 $0x1, s8  }
.LBB2_6:
0x14: {  	[hbm:s17] =	stream.linear.scatter [tilespmem:s14], [sflag:$0x3], $0x400, $0x38;
	[tilespmem:$0x50A0] =	vst v63  }
.LBB2_7:
0x15: {  	s13 =	sadd.s32 $0x50, s11  }
0x16: {  	s15 =	smov.u32 s1;
	p2 =	slt.s32 s13, s3  }
0x17: {  	s15 =	smov.u32 @p2 s13;
	p2 =	sne.s32 s12, s10  }
.Ltmp1:
0x18: {  	p1 =	slt.u32 s12, $0x2;
	(pc) =	sbr.rel @!p2 .LBB2_8-.Ltmp1, $4  }
0x19: {  	s14 =	simm.s32 @!p1 $0x3  }
0x1a: {  	s16 =	sadd.s32 $0x1, s12;
	_ =	swait.ge @!p1 [sflag:s14], $0x2800  }
0x1b: {  	p0 =	por !p0, !p0;
	s13 =	smov.u32 s11;
	[sflag:s14] =	ssyncset.done @!p1 $0x0  }
0x1c: {  	s12 =	smov.u32 s16;
	s11 =	smov.u32 s15;
	[sflag:s14] =	ssyncadd.s32 @!p1 $0xFFFFD800  }
.LBB2_1:
0x1d: {  	p1 =	sge.u32 s12, s8  }
0x1e: {  	s14 =	sxor.u32 @!p1 $0xFFFFFFFF, s12  }
0x1f: {  	s14 =	sand.u32 @!p1 $0x1, s14  }
0x20: {  	s14 =	smul.u32 @!p1 $0x140, s14  }
0x21: {  	s31 =	sadd.s32 $0xFFFFFFFF, s12;
	s15 =	sshrl.u32 @!p1 s11, $0x3  }
0x22: {  	s16 =	sand.u32 @!p1 $0x7, s11;
	s15 =	sadd.s32 @!p1 s5, s15;
	s14 =	sshrl.u32 @!p1 s14, $0x2  }
0x23: {  	[tilespmem:s14], [sflag:$0x2] =	stream.linear.gather @!p1 [hbm4b:s15+s16], $0x50, $0x38;
	[tilespmem:$0x50A0] =	vst v63  }
0x24: {  	p1 =	sge.u32 s31, s8  }
.Ltmp2:
0x25: {  	_ = 	snop;
	(pc) =	sbr.rel @p1 .LBB2_7-.Ltmp2, $1  }
0x26: {  	_ =	sdelay $0x3  }
0x27: {  	s14 =	simm.s32 $0x1  }
0x28: {  	s14 =	simm.s32 @!p0 $0x0  }
0x29: {  	s15 =	smul.u32 $0x140, s14  }
0x2a: {  	_ =	swait.ge [sflag:s7], $0x50  }
0x2b: {  	[sflag:s7] =	ssyncset.done $0x0;
	s16 =	sshrl.u32 s15, $0x2  }
0x2c: {  	[sflag:s7] =	ssyncadd.s32 $0xFFFFFFB0;
	s15 =	sadd.s32 $0x0, s16  }
0x2d: {  	v0 =	vld.msk [tilespmem:s15+$0x0 ss:$0x1], $0xffff;
	_ =	sdelay $0x4  }
0x2e: {  	vm2 =	vgt.s32 v0, $0x0  }
0x2f: {  	v0 =	vnsel vm2, $0x0, v0  }
0x30: {  	v0 =	vmin.u32 v0, $0x4E1F  }
0x31: {  	v0 =	vshll.u32 v0, $0x4  }
0x32: {  	s14 =	smul.u32 $0xA000, s14;
	_ =	sdelay $0x1  }
0x33: {  	s14 =	sshrl.u32 s14, $0x2  }
0x34: {  	s14 =	sor.u32 $0xA0, s14  }
0x35: {  	[tilespmem:s14], [sflag:$0x1] =	stream.indirect_vreg.gather [hbm:s4], $0x80, v0, vm0, $0x38;
	[tilespmem:$0x50A0] =	vst v63  }
0x36: {  	s17 =	sadd.s32 $0x10, s16;
	s15 =	sadd.s32 $0x400, s14  }
0x37: {  	[tilespmem:s15], [sflag:$0x1] =	stream.indirect_vreg.gather [hbm:s4], $0x80, v0, vm1, $0x38;
	[tilespmem:$0x50A0] =	vst v63  }
0x38: {  	s18 =	simm.s32 $0x80;
	v0 =	vld.msk [tilespmem:s17+$0x0 ss:$0x1], $0xffff;
	s17 =	smov.u32 s14  }
.LBB2_3:
0x39: {  	p1 =	sne.s32 s18, $0x100;
	_ =	sdelay $0x4  }
0x3a: {  	vm2 =	vgt.s32 v0, $0x0  }
0x3b: {  	v0 =	vnsel vm2, $0x0, v0  }
0x3c: {  	v0 =	vmin.u32 v0, $0x4E1F  }
0x3d: {  	v0 =	vshll.u32 v0, $0x4;
	_ =	sdelay $0x3  }
.Ltmp3:
0x3e: {  	s19 =	sshra.s32 s18, $0x2;
	s17 =	sadd.s32 $0x800, s17;
	(pc) =	sbr.rel @p1 .LBB2_3-.Ltmp3, $4  }
0x3f: {  	[tilespmem:s17], [sflag:$0x1] =	stream.indirect_vreg.gather [hbm:s4], $0x80, v0, vm0, $0x38;
	[tilespmem:$0x50A0] =	vst v63  }
0x40: {  	s19 =	sadd.s32 s19, s16;
	s20 =	sadd.s32 $0x400, s17  }
0x41: {  	[tilespmem:s20], [sflag:$0x1] =	stream.indirect_vreg.gather [hbm:s4], $0x80, v0, vm1, $0x38;
	[tilespmem:$0x50A0] =	vst v63  }
0x42: {  	s18 =	sadd.s32 $0x40, s18;
	v0 =	vld.msk [tilespmem:s19+$0x0 ss:$0x1], $0xffff  }
0x43: {  	_ =	sdelay $0x3  }
0x44: {  	vm2 =	vgt.s32 v0, $0x0  }
0x45: {  	v0 =	vnsel vm2, $0x0, v0  }
0x46: {  	v0 =	vmin.u32 v0, $0x4E1F  }
0x47: {  	v0 =	vshll.u32 v0, $0x4;
	_ =	sdelay $0x3  }
0x48: {  	s16 =	sadd.s32 $0x800, s17  }
0x49: {  	[tilespmem:s16], [sflag:$0x1] =	stream.indirect_vreg.gather [hbm:s4], $0x80, v0, vm0, $0x38;
	[tilespmem:$0x50A0] =	vst v63  }
0x4a: {  	s16 =	sadd.s32 $0x400, s16  }
0x4b: {  	[tilespmem:s16], [sflag:$0x1] =	stream.indirect_vreg.gather [hbm:s4], $0x80, v0, vm1, $0x38;
	[tilespmem:$0x50A0] =	vst v63  }
0x4c: {  	s13 =	sshll.u32 s13, $0x4;
	_ =	swait.ge [sflag:s6], $0x2800  }
0x4d: {  	s13 =	sadd.s32 s13, s9;
	[sflag:s6] =	ssyncset.done $0x0  }
0x4e: {  	s17 =	sadd.s32 $0x0, s13;
	s16 =	simm.s32 $0x80;
	[sflag:s6] =	ssyncadd.s32 $0xFFFFD800  }
.LBB2_5:
0x4f: {  	[hbm:s17] =	stream.linear.scatter [tilespmem:s14], [sflag:$0x3], $0x400, $0x38;
	[tilespmem:$0x50A0] =	vst v63  }
0x50: {  	s17 =	smov.u32 s16;
	s14 =	smov.u32 s15;
	p1 =	sne.s32 s16, $0x480  }
.Ltmp4:
0x51: {  	s16 =	sadd.s32 $0x80, s16;
	(pc) =	sbr.rel @p1 .LBB2_5-.Ltmp4, $2  }
0x52: {  	_ =	sdelay $0x2  }
0x53: {  	s15 =	sadd.s32 $0x400, s15;
	s17 =	sadd.s32 s17, s13  }
.Ltmp5:
0x54: {  	_ = 	snop;
	(pc) =	sbr.rel .LBB2_6-.Ltmp5, $1  }
0x55: {  	_ =	sdelay $0x3  }
.LBB2_8:
0x56: {  	_ =	sfence.sel $0x180000  }
0x57: {  	s1 =	simm.s32 $0x2;
	[bflag:$0x0] =	sbarrier.arrive $0xFFFF  }
0x58: {  	s30 =	simm.s32 $0x3;
	[sflag:s1] =	ssyncpa.u1 $0x1  }
0x59: {  	s31 =	simm.s32 $0x1;
	[sflag:s30] =	ssyncpa.u1 $0x1  }
0x5a: {  	[sflag:s31] =	ssyncpa.u1 $0x1  }
0x5b: {  	p0 =	sne.s32 s0, $0x0;
	_ =	strace $0x90000047  }
0x5c: {  	s0 =	sadd.s32 @!p0 $0x100000, s2;
	[bflag:$0x2] =	sbarrier.arrive $0xFFFF  }
0x5d: {  	[sflag:s0] =	ssyncadd.tile.s32 @!p0 $0x1;
	_ =	shalt  }
.Lfunc_end2:
_tile_overlayer_lowered:
.L_overlay_start_2:
0x5e: {  	(tag) =	ssettag $0x2  }
0x5f: {  	s0 =	rddreg [dreg:$0x0];
	s2 =	stileid.u32  }
0x60: {  	s1 =	rddreg [dreg:$0x1];
	p0 =	sne.s32 s2, $0x0  }
0x61: {  	s3 =	rddreg [dreg:$0x2];
	[bflag:$0x3] =	sbarrier.arrive $0xFFFF;
	s2 =	simm.s32 @!p0 $0x1C01  }
0x62: {  	[timem:s3], [sflag:s2] =	dma.local @!p0 [hbm:s0], s1  }
0x63: {  	s0 =	simm.s32 @!p0 $0x1  }
0x64: {  	_ =	swait.ge @!p0 [sflag:s0], s1  }
0x65: {  	s1 =	ssub.s32 @!p0 $0x0, s1;
	[sflag:s0] =	ssyncset.done @!p0 $0x0  }
0x66: {  	[sflag:s0] =	ssyncadd.s32 @!p0 s1  }
0x67: {  	[bflag:$0x3] =	sbarrier.arrive $0xFFFF  }
0x68: {  	_ =	shalt  }

// kernel: gather_offload_async_start
scs
__scs_entry_jumppad:
0x0: {  	(pc) =	sbr.rel $0x88, $3  }
0x1: {  	(tag) =	ssettag $0x0;
	lr =	simm.s32 $0x1  }
0x2: {  	[smem:$0x3F9F] =	sst lr;
	_ =	strace $0xD0000000  }
0x3: {  	_ = 	snop  }
0x4: {  	_ = 	snop  }
0x5: {  	_ = 	snop  }
0x6: {  	_ = 	snop  }
0x7: {  	_ = 	snop  }
__scs_overlays_trampoline_lowered:
0x8: {  	[smem:$0x3FAE] =	sst s0  }
0x9: {  	[smem:$0x3FAF] =	sst s1  }
0xa: {  	[smem:$0x3FB0] =	sst s2  }
0xb: {  	[smem:$0x3FB1] =	sst s3  }
0xc: {  	[smem:$0x3FB2] =	sst s4  }
0xd: {  	[smem:$0x3FB3] =	sst s5  }
0xe: {  	[smem:$0x3FB4] =	sst s6  }
0xf: {  	[smem:$0x3FB5] =	sst s7  }
0x10: {  	[smem:$0x3FB6] =	sst s8  }
0x11: {  	[smem:$0x3FB7] =	sst s9;
	s0 =	simm.s32 @!p0 $0x0  }
0x12: {  	s1 =	sld [smem:$0x3F9D];
	s0 =	simm.s32 @p0 $0x1  }
0x13: {  	[smem:$0x3FB8] =	sst s0;
	s0 =	simm.s32 @!p1 $0x0  }
0x14: {  	s2 =	sld [smem:$0x3F9C];
	s0 =	simm.s32 @p1 $0x1  }
0x15: {  	[smem:$0x3FB9] =	sst s0;
	s0 =	simm.s32 @!p2 $0x0  }
0x16: {  	s3 =	sld [smem:$0x3FDB];
	s0 =	simm.s32 @p2 $0x1  }
0x17: {  	s4 =	simm.s32 $0x1BF5;
	[smem:$0x3FBB] =	sst s0  }
0x18: {  	s0 =	sld [smem:$0x3F9E];
	_ =	swait.ge [sflag:s4], $0x0  }
0x19: {  	s7 =	sld [smem:$0x3F9F]  }
0x1a: {  	s8 =	sadd.s32 $0xFFFFE003, lr  }
0x1b: {  	s9 =	sadd.s32 $0xFFFFFEF7, lr;
	s5 =	simm.s32 $0xFFFFFFFF;
	p2 =	slt.u32 s8, $0xFFFFF086  }
0x1c: {  	p1 =	slt.u32 s9, $0xF7A;
	s5 =	simm.s32 @!p2 $0x0  }
0x1d: {  	s5 =	simm.s32 @p1 $0x1;
	p0 =	seq.s32 s7, s2  }
0x1e: {  	s7 =	smul.u32 @!p0 $0xF7A, s2;
	p2 =	seq.s32 @!p0 s5, $0x0  }
0x1f: {  	s9 =	smul.u32 $0xF7A, s1;
	s8 =	simm.s32 @!p0 $0x1BF5;
	p2 =	por !p2, p0  }
0x20: {  	[sflag:s8] =	ssyncset.s32 @!p0 $0xFFFFF086;
	s6 =	sadd.s32 @!p0 s3, s7;
	s7 =	simm.s32 @!p0 $0x108  }
0x21: {  	s3 =	sadd.s32 s3, s9;
	s6 =	sadd.s32 @!p0 $0x88, s6;
	s7 =	simm.s32 @p2 $0x1082  }
0x22: {  	[simem:s7], [sflag:s8] =	dma.local @!p0 [hbm:s6], $0xF7A  }
0x23: {  	s9 =	sor.u32 $0xD0000000, s2;
	s6 =	simm.s32 $0x108;
	_ =	swait.ge @!p0 [sflag:s8], $0x0  }
0x24: {  	s3 =	sadd.s32 $0x88, s3;
	s6 =	simm.s32 @!p1 $0x1082;
	[sflag:s4] =	ssyncset.s32 $0xFFFFF086  }
0x25: {  	[simem:s6], [sflag:s4] =	dma.local [hbm:s3], $0xF7A  }
0x26: {  	[smem:$0x3F9F] =	sst s1;
	(tag) =	ssettag s2;
	_ =	strace s9  }
0x27: {  	s1 =	sld [smem:$0x3FAF]  }
0x28: {  	s2 =	sld [smem:$0x3FB0]  }
0x29: {  	s4 =	sld [smem:$0x3FB2]  }
0x2a: {  	p0 =	seq.s32 s5, $0x0;
	s5 =	sld [smem:$0x3FB3]  }
0x2b: {  	s6 =	sld [smem:$0x3FB4]  }
0x2c: {  	s7 =	sld [smem:$0x3FB5]  }
0x2d: {  	s3 =	simm.s32 $0x108;
	s8 =	sld [smem:$0x3FB6]  }
0x2e: {  	s3 =	simm.s32 @!p0 $0x1082;
	s9 =	sld [smem:$0x3FB7]  }
0x2f: {  	lr =	sadd.s32 s0, s3;
	s0 =	sld [smem:$0x3FAE]  }
0x30: {  	s3 =	sld [smem:$0x3FB1]  }
0x31: {  	[smem:$0x3FBA] =	sst s10  }
0x32: {  	s10 =	sld [smem:$0x3FB8];
	_ =	sdelay $0x3  }
0x33: {  	p0 =	seq.s32 s10, $0x1;
	s10 =	sld [smem:$0x3FBA];
	_ =	sdelay $0x3  }
0x34: {  	[smem:$0x3FBA] =	sst s10  }
0x35: {  	s10 =	sld [smem:$0x3FB9];
	_ =	sdelay $0x3  }
0x36: {  	p1 =	seq.s32 s10, $0x1;
	s10 =	sld [smem:$0x3FBA];
	_ =	sdelay $0x3  }
0x37: {  	[smem:$0x3FBA] =	sst s10  }
0x38: {  	s10 =	sld [smem:$0x3FBB]  }
0x39: {  	_ = 	snop;
	(pc) =	sbr.ind lr, $3  }
0x3a: {  	_ = 	snop  }
0x3b: {  	_ = 	snop  }
0x3c: {  	p2 =	seq.s32 s10, $0x1;
	s10 =	sld [smem:$0x3FBA]  }
0x3d: {  	_ =	shalt  }
0x3e: {  	_ =	shalt  }
0x3f: {  	_ =	shalt  }
0x40: {  	_ =	shalt  }
0x41: {  	_ =	shalt  }
0x42: {  	_ =	shalt  }
0x43: {  	_ =	shalt  }
0x44: {  	_ =	shalt  }
0x45: {  	_ =	shalt  }
0x46: {  	_ =	shalt  }
0x47: {  	_ =	shalt  }
0x48: {  	_ =	shalt  }
0x49: {  	_ =	shalt  }
0x4a: {  	_ =	shalt  }
0x4b: {  	_ =	shalt  }
0x4c: {  	_ =	shalt  }
0x4d: {  	_ =	shalt  }
0x4e: {  	_ =	shalt  }
0x4f: {  	_ =	shalt  }
0x50: {  	_ =	shalt  }
0x51: {  	_ =	shalt  }
0x52: {  	_ =	shalt  }
0x53: {  	_ =	shalt  }
0x54: {  	_ =	shalt  }
0x55: {  	_ =	shalt  }
0x56: {  	_ =	shalt  }
0x57: {  	_ =	shalt  }
0x58: {  	_ =	shalt  }
0x59: {  	_ =	shalt  }
0x5a: {  	_ =	shalt  }
0x5b: {  	_ =	shalt  }
0x5c: {  	_ =	shalt  }
0x5d: {  	_ =	shalt  }
0x5e: {  	_ =	shalt  }
0x5f: {  	_ =	shalt  }
0x60: {  	_ =	shalt  }
0x61: {  	_ =	shalt  }
0x62: {  	_ =	shalt  }
0x63: {  	_ =	shalt  }
0x64: {  	_ =	shalt  }
0x65: {  	_ =	shalt  }
0x66: {  	_ =	shalt  }
0x67: {  	_ =	shalt  }
0x68: {  	_ =	shalt  }
0x69: {  	_ =	shalt  }
0x6a: {  	_ =	shalt  }
0x6b: {  	_ =	shalt  }
0x6c: {  	_ =	shalt  }
0x6d: {  	_ =	shalt  }
0x6e: {  	_ =	shalt  }
0x6f: {  	_ =	shalt  }
0x70: {  	_ =	shalt  }
0x71: {  	_ =	shalt  }
0x72: {  	_ =	shalt  }
0x73: {  	_ =	shalt  }
0x74: {  	_ =	shalt  }
0x75: {  	_ =	shalt  }
0x76: {  	_ =	shalt  }
0x77: {  	_ =	shalt  }
0x78: {  	_ =	shalt  }
0x79: {  	_ =	shalt  }
0x7a: {  	_ =	shalt  }
0x7b: {  	_ =	shalt  }
0x7c: {  	_ =	shalt  }
0x7d: {  	_ =	shalt  }
0x7e: {  	_ =	shalt  }
0x7f: {  	_ =	shalt  }
0x80: {  	_ =	shalt  }
0x81: {  	_ =	shalt  }
0x82: {  	_ =	shalt  }
0x83: {  	_ =	shalt  }
0x84: {  	_ =	shalt  }
0x85: {  	_ =	shalt  }
0x86: {  	_ =	shalt  }
0x87: {  	_ =	shalt  }
.Lfunc_end0:
.L_simem_size_0:
called_computation_lowered:
.L_overlay_start_0:
0x88: {  	s0 =	sld [smem:$0x3FD9]  }
0x89: {  	s1 =	sld [smem:$0x3FFE];
	_ =	sdelay $0x3  }
0x8a: {  	s0 =	sadd.s32 s1, s0  }
0x8b: {  	[smem:$0x3FC6] =	sst s0  }
0x8c: {  	_ = 	snop  }
0x8d: {  	s0 =	sld [smem:$0x3FD0];
	_ =	sdelay $0x2  }
0x8e: {  	s13 =	simm.s32 $0xA;
	s2 =	simm.s32 $0x10  }
0x8f: {  	[smem:s2], [sflag:s13] =	dma.local [hbm:s0], $0x1  }
0x90: {  	_ =	swait.eq [sflag:s13], $0x1  }
0x91: {  	[sflag:s13] =	ssyncset.done $0x0  }
0x92: {  	s14 =	sld [smem:$0x11];
	[sflag:s13] =	ssyncadd.s32 $0xFFFFFFFF  }
0x93: {  	s15 =	sld [smem:$0x12];
	(tm) =	ssettm $0x1  }
0x94: {  	s16 =	sld [smem:$0x3FFB];
	_ =	sdelay $0x3  }
0x95: {  	_ =	strace s16  }
0x96: {  	s2 =	sld [smem:$0x3FFC];
	_ =	sdelay $0x3  }
0x97: {  	_ =	strace s2  }
0x98: {  	s2 =	sld [smem:$0x3FFD];
	_ =	sdelay $0x3  }
0x99: {  	_ =	strace s2  }
0x9a: {  	_ =	strace $0x8FFFFFFF  }
0x9b: {  	s17 =	sld [smem:$0x3FDB];
	_ =	sdelay $0x1  }
0x9c: {  	s3 =	simm.s32 $_scs_section_size  }
0x9d: {  	s4 =	simm.s32 $_size__tile_overlayer_lowered;
	s5 =	simm.s32 $_tile_overlayer_lowered  }
0x9e: {  	s20 =	simm.s32 $0x1BFF;
	s19 =	sshll.u32 s5, $0x1;
	s2 =	sadd.s32 s3, s17  }
0x9f: {  	s6 =	simm.s32 $0x0;
	s18 =	sshll.u32 s4, $0x1;
	s4 =	sadd.s32 s19, s2  }
0xa0: {  	[timem:s6], [sflag:s20] =	dma.local [hbm:s4], s18  }
0xa1: {  	_ =	swait.ge [sflag:s20], s18  }
0xa2: {  	s3 =	ssub.s32 $0x0, s18;
	[sflag:s20] =	ssyncset.done $0x0  }
0xa3: {  	[sflag:s20] =	ssyncadd.s32 s3;
	_ =	sdelay $0x1  }
0xa4: {  	s21 =	simm.s32 $0x1B8B  }
0xa5: {  	_ =	swait.ge [sflag:s21], $0x1  }
0xa6: {  	[sflag:s21] =	ssyncset.done $0x0  }
0xa7: {  	s23 =	simm.s32 $0x1B8E;
	s22 =	sld [smem:$0x3FFE];
	[sflag:s21] =	ssyncadd.s32 $0xFFFFFFFF  }
0xa8: {  	s24 =	simm.s32 $execute0_lowered;
	[smem:$0x3FD2] =	sst s23  }
0xa9: {  	s4 =	sshll.u32 s24, $0x1;
	_ =	strace $0x80000049;
	[dreg:$0x1] =	wrdreg $0xFFFFFFFF  }
0xaa: {  	s25 =	simm.s32 $_size_execute0_lowered;
	s2 =	sadd.s32 s2, s4;
	[dreg:$0x0] =	wrdreg $0x0  }
0xab: {  	s4 =	sshll.u32 s25, $0x1;
	[dreg:$0x2] =	wrdreg s2  }
0xac: {  	[dreg:$0x3] =	wrdreg s4  }
0xad: {  	[dreg:$0x4] =	wrdreg $0xC0  }
0xae: {  	_ =	task [dreg:s6], $0x5FFFF  }
0xaf: {  	[dreg:$0x1] =	wrdreg $0xFFFFFFFF  }
0xb0: {  	[dreg:$0x0] =	wrdreg $0x60  }
0xb1: {  	[dreg:$0x2] =	wrdreg s22  }
0xb2: {  	[dreg:$0x3] =	wrdreg s15  }
0xb3: {  	[dreg:$0x4] =	wrdreg s14  }
0xb4: {  	[dreg:$0x5] =	wrdreg $0x9  }
0xb5: {  	_ =	task.clear_ibuf [dreg:s6], $0x6FFFF;
	_ =	strace $0x90000049  }
0xb6: {  	s26 =	simm.s32 $0x9;
	_ =	strace $0x8000004B  }
0xb7: {  	_ =	swait.ge [sflag:s26], $0x1  }
0xb8: {  	[sflag:s26] =	ssyncadd.s32 $0xFFFFFFFF  }
0xb9: {  	_ =	strace $0x9000004B  }
0xba: {  	_ =	sfence  }
0xbb: {  	s28 =	sld [smem:$0x0];
	_ =	sdelay $0x1  }
0xbc: {  	s29 =	srdreg.scid  }
0xbd: {  	s30 =	sshll.u32 s29, $0xD;
	s31 =	sshrl.u32 s29, $0x2  }
0xbe: {  	s1 =	sand.u32 $0x1, s29;
	s2 =	sand.u32 $0x4000, s30;
	s0 =	sadd.s32 s31, s28  }
0xbf: {  	s1 =	sor.u32 s2, s1;
	s0 =	sshll.u32 s0, $0x11  }
0xc0: {  	s0 =	sor.u32 s0, s1  }
0xc1: {  	s0 =	sadd.s32 $0x8F2B, s0  }
0xc2: {  	[sflag:s0] =	ssyncadd.remote.s32 $0x1  }
0xc3: {  	_ =	sfence.sel $0xFFFF  }
0xc4: {  	[dreg:$0x0] =	wrdreg $0xFFFFFFFF;
	(pc) =	sbr.abs _section_cstart, $3  }
0xc5: {  	[dreg:$0x1] =	wrdreg $0xFFFFFFFF  }
0xc6: {  	_ =	task.clear_ibuf [dreg:s6], $0x2FFFF;
	_ =	strace $0x9FFFFFFF  }
0xc7: {  	(tm) =	ssettm $0x7FFFFFFF  }
tec
execute0_lowered:
.L_overlay_start_1:
0x0: {  	(tag) =	ssettag $0x1  }
0x1: {  	s2 =	rddreg [dreg:$0x0]  }
0x2: {  	s3 =	rddreg [dreg:$0x1]  }
0x3: {  	s4 =	rddreg [dreg:$0x2]  }
0x4: {  	s0 =	rddreg [dreg:$0x3];
	s1 =	stileid.u32  }
0x5: {  	_ =	strace $0x8000004A;
	s6 =	simm.s32 $0x1;
	s7 =	simm.s32 $0x500  }
0x6: {  	s9 =	simm.s32 $0x1;
	s10 =	simm.s32 $0x3;
	s5 =	smul.u32 $0x50, s1  }
0x7: {  	s13 =	simm.s32 $0x0;
	s12 =	simm.s32 $0x0;
	p0 =	slt.u32 s1, $0xA  }
.Ltmp0:
0x8: {  	s7 =	simm.s32 @!p0 $0x0;
	s8 =	ssub.s32 $0x7D0, s5;
	(pc) =	sbr.rel .LBB2_1-.Ltmp0, $4  }
0x9: {  	s9 =	simm.s32 @!p0 $0x0;
	p0 =	sne.s32 s8, s7;
	s8 =	simm.s32 $0x1  }
0xa: {  	[sflag:s6] =	ssyncpa.u1 $0x0;
	s7 =	simm.s32 $0x2;
	s8 =	simm.s32 @!p0 $0x0  }
0xb: {  	s11 =	smov.u32 s5;
	[sflag:s7] =	ssyncpa.u1 $0x0;
	s8 =	sadd.s32 s9, s8  }
0xc: {  	vm0 =	vmmov $0xffff;
	[sflag:s10] =	ssyncpa.u1 $0x0;
	s10 =	simm.s32 $0x0;
	s9 =	sadd.s32 $0x1, s8  }
.LBB2_4:
0xd: {  	v2 =	vnsel vm1, $0x0, v2  }
0xe: {  	vm1 =	vgt.s32 v0, $0x0;
	v2 =	vmin.u32 v2, $0x17FF  }
0xf: {  	v0 =	vnsel vm1, $0x0, v0  }
0x10: {  	v0 =	vmin.u32 v0, $0x17FF  }
0x11: {  	[tilespmem:s18], [sflag:$0x1] =	stream.indirect_vreg.gather [hbm4b:s2+s10], $0x1, v1, vm0, $0x4038;
	[tilespmem:$0x140] =	vst v63  }
0x12: {  	(ifvalue) =	ssetifvalue $0x7FFFFFFF  }
0x13: {  	[tilespmem:s15], [sflag:$0x1] =	stream.indirect_vreg.gather [hbm4b:s2+s10], $0x1, v2, vm0, $0x4038;
	[tilespmem:$0x140] =	vst v63  }
0x14: {  	s29 =	sadd.s32 $0x10, s15;
	(ifvalue) =	ssetifvalue $0x7FFFFFFF  }
0x15: {  	[tilespmem:s29], [sflag:$0x1] =	stream.indirect_vreg.gather [hbm4b:s2+s10], $0x1, v0, vm0, $0x4038;
	[tilespmem:$0x140] =	vst v63  }
0x16: {  	_ =	swait.ge [sflag:s6], $0x50  }
0x17: {  	s30 =	sshrl.u32 s13, $0x3;
	[sflag:s6] =	ssyncset.done $0x0  }
0x18: {  	s31 =	sand.u32 $0x7, s13;
	s15 =	sadd.s32 s4, s30;
	[sflag:s6] =	ssyncadd.s32 $0xFFFFFFB0  }
0x19: {  	[hbm4b:s15+s31] =	stream.linear.scatter [tilespmem:s14], [sflag:$0x3], $0x50, $0x38;
	[tilespmem:$0x140] =	vst v63  }
.LBB2_5:
0x1a: {  	s15 =	sadd.s32 $0x500, s11  }
0x1b: {  	p1 =	sgt.s32 s15, $0x7CF  }
0x1c: {  	s15 =	smov.u32 @p1 s5;
	p1 =	sne.s32 s12, s9  }
.Ltmp1:
0x1d: {  	p0 =	slt.u32 s12, $0x2;
	(pc) =	sbr.rel @!p1 .LBB2_6-.Ltmp1, $4  }
0x1e: {  	s14 =	simm.s32 @!p0 $0x3  }
0x1f: {  	_ =	swait.ge @!p0 [sflag:s14], $0x50  }
0x20: {  	s16 =	sadd.s32 $0x1, s12;
	s13 =	smov.u32 s11;
	[sflag:s14] =	ssyncset.done @!p0 $0x0  }
0x21: {  	s12 =	smov.u32 s16;
	s11 =	smov.u32 s15;
	[sflag:s14] =	ssyncadd.s32 @!p0 $0xFFFFFFB0  }
.LBB2_1:
0x22: {  	p0 =	sge.u32 s12, s8  }
0x23: {  	s14 =	sxor.u32 @!p0 $0x1, s12  }
0x24: {  	s14 =	smul.u32 @!p0 $0x140, s14  }
0x25: {  	s31 =	sadd.s32 $0xFFFFFFFF, s12;
	s15 =	sshrl.u32 @!p0 s11, $0x3  }
0x26: {  	s16 =	sand.u32 @!p0 $0x7, s11;
	s15 =	sadd.s32 @!p0 s3, s15;
	s14 =	sshra.s32 @!p0 s14, $0x2  }
0x27: {  	[tilespmem:s14], [sflag:$0x2] =	stream.linear.gather @!p0 [hbm4b:s15+s16], $0x50, $0x38;
	[tilespmem:$0x140] =	vst v63  }
0x28: {  	p0 =	sge.u32 s31, s8  }
.Ltmp2:
0x29: {  	_ = 	snop;
	(pc) =	sbr.rel @p0 .LBB2_5-.Ltmp2, $1  }
0x2a: {  	_ =	sdelay $0x3  }
0x2b: {  	s14 =	sand.u32 $0x1, s12  }
0x2c: {  	_ =	swait.ge [sflag:s7], $0x50;
	p0 =	seq.s32 s14, $0x1;
	s14 =	simm.s32 $0x50  }
0x2d: {  	[sflag:s7] =	ssyncset.done $0x0;
	s14 =	simm.s32 @!p0 $0x0  }
0x2e: {  	[sflag:s7] =	ssyncadd.s32 $0xFFFFFFB0;
	(ifvalue) =	ssetifvalue $0x7FFFFFFF;
	v0 =	vld.msk [tilespmem:s14+$0x0 ss:$0x1], $0xffff;
	_ =	sdelay $0x4  }
0x2f: {  	s15 =	sadd.s32 $0x10, s14;
	vm1 =	vgt.s32 v0, $0x0  }
0x30: {  	v2 =	vld.msk [tilespmem:s15+$0x0 ss:$0x1], $0xffff;
	v1 =	vnsel vm1, $0x0, v0  }
0x31: {  	v1 =	vmin.u32 v1, $0x17FF;
	_ =	sdelay $0x2  }
0x32: {  	s17 =	simm.s32 $0x20;
	s14 =	sor.u32 $0xA0, s14;
	s16 =	sadd.s32 $0x10, s15  }
0x33: {  	s15 =	sadd.s32 $0x10, s14;
	s18 =	smov.u32 s14;
	v0 =	vld.msk [tilespmem:s16+$0x0 ss:$0x1], $0xffff;
	vm1 =	vgt.s32 v2, $0x0;
	(ifvalue) =	ssetifvalue $0x7FFFFFFF  }
.LBB2_3:
0x34: {  	[tilespmem:s18], [sflag:$0x1] =	stream.indirect_vreg.gather [hbm4b:s2+s10], $0x1, v1, vm0, $0x4038;
	[tilespmem:$0x140] =	vst v63  }
0x35: {  	s17 =	sadd.s32 $0x10, s17  }
0x36: {  	v2 =	vnsel vm1, $0x0, v2;
	p0 =	slt.u32 s17, $0x40  }
.Ltmp3:
0x37: {  	s18 =	smov.u32 s15;
	v1 =	vmin.u32 v2, $0x17FF;
	(pc) =	sbr.rel @p0 .LBB2_3-.Ltmp3, $3  }
0x38: {  	_ =	sdelay $0x1  }
0x39: {  	s16 =	sadd.s32 $0x10, s16  }
0x3a: {  	vm1 =	vgt.s32 v0, $0x0;
	s15 =	sadd.s32 $0x10, s15;
	v2 =	vmov v0;
	(ifvalue) =	ssetifvalue $0x7FFFFFFF;
	v0 =	vld.msk [tilespmem:s16+$0x0 ss:$0x1], $0xffff  }
.Ltmp4:
0x3b: {  	_ = 	snop;
	(pc) =	sbr.rel .LBB2_4-.Ltmp4, $1  }
0x3c: {  	_ =	sdelay $0x3  }
.LBB2_6:
0x3d: {  	_ =	sfence.sel $0x180000  }
0x3e: {  	s2 =	simm.s32 $0x2;
	[bflag:$0x0] =	sbarrier.arrive $0xFFFF  }
0x3f: {  	s30 =	simm.s32 $0x3;
	[sflag:s2] =	ssyncpa.u1 $0x1  }
0x40: {  	s31 =	simm.s32 $0x1;
	[sflag:s30] =	ssyncpa.u1 $0x1  }
0x41: {  	[sflag:s31] =	ssyncpa.u1 $0x1  }
0x42: {  	p0 =	sne.s32 s1, $0x0;
	_ =	strace $0x9000004A  }
0x43: {  	s0 =	sadd.s32 @!p0 $0x100000, s0;
	[bflag:$0x2] =	sbarrier.arrive $0xFFFF  }
0x44: {  	[sflag:s0] =	ssyncadd.tile.s32 @!p0 $0x1;
	_ =	shalt  }
.Lfunc_end2:
_tile_overlayer_lowered:
.L_overlay_start_2:
0x45: {  	(tag) =	ssettag $0x2  }
0x46: {  	s0 =	rddreg [dreg:$0x0];
	s2 =	stileid.u32  }
0x47: {  	s1 =	rddreg [dreg:$0x1];
	p0 =	sne.s32 s2, $0x0  }
0x48: {  	s3 =	rddreg [dreg:$0x2];
	[bflag:$0x3] =	sbarrier.arrive $0xFFFF;
	s2 =	simm.s32 @!p0 $0x1C01  }
0x49: {  	[timem:s3], [sflag:s2] =	dma.local @!p0 [hbm:s0], s1  }
0x4a: {  	s0 =	simm.s32 @!p0 $0x1  }
0x4b: {  	_ =	swait.ge @!p0 [sflag:s0], s1  }
0x4c: {  	s1 =	ssub.s32 @!p0 $0x0, s1;
	[sflag:s0] =	ssyncset.done @!p0 $0x0  }
0x4d: {  	[sflag:s0] =	ssyncadd.s32 @!p0 s1  }
0x4e: {  	[bflag:$0x3] =	sbarrier.arrive $0xFFFF  }
0x4f: {  	_ =	shalt  }

</sc_bundles>
